<compile_context>
chip_gen: v7x
topology: tpu7x:2x2x1
jax: 0.10.2.dev20260603
libtpu: 0.0.44.dev20260713+nightly
codegen_flags: <defaults>
</compile_context>

<pallas_src>
import functools

import jax
import jax.numpy as jnp
from jax import lax
from jax.experimental import pallas as pl
from jax.experimental.pallas import tpu as pltpu
from jax.experimental.pallas import tpu_sc as plsc

MAX_LEN = 4096
HIDDEN_DIM = 1024
TC_BLOCK = 256

_MESH = plsc.ScalarSubcoreMesh(axis_name="c", num_cores=1)


@functools.partial(
    pl.kernel,
    out_type=jax.ShapeDtypeStruct((1, HIDDEN_DIM), jnp.float32),
    mesh=_MESH,
    scratch_types=[
        pltpu.SMEM((1,), jnp.int32),
    ],
)
def _sc_level_lookup(lev_hbm, table_hbm, row_hbm, lev_s):
    pltpu.sync_copy(lev_hbm, lev_s)
    levm1 = lev_s[0] - 1
    pltpu.sync_copy(table_hbm.at[pl.ds(levm1, 1)], row_hbm)


def _tc_broadcast_body(row_ref, out_ref, buf_ref, sem):
    buf_ref[...] = jnp.broadcast_to(row_ref[...], (TC_BLOCK, HIDDEN_DIM))
    descs = [
        pltpu.async_copy(
            buf_ref, out_ref.at[pl.ds(i * TC_BLOCK, TC_BLOCK)], sem
        )
        for i in range(MAX_LEN // TC_BLOCK)
    ]
    for d in descs:
        d.wait()


_tc_broadcast = pl.pallas_call(
    _tc_broadcast_body,
    in_specs=[pl.BlockSpec((1, HIDDEN_DIM), lambda: (0, 0))],
    out_specs=pl.BlockSpec(memory_space=pl.ANY),
    out_shape=jax.ShapeDtypeStruct((MAX_LEN, HIDDEN_DIM), jnp.float32),
    scratch_shapes=[
        pltpu.VMEM((TC_BLOCK, HIDDEN_DIM), jnp.float32),
        pltpu.SemaphoreType.DMA,
    ],
)


def kernel(x, lev, emb_table):
    lev_arr = jnp.asarray(lev, dtype=jnp.int32).reshape((1,))
    row = _sc_level_lookup(lev_arr, emb_table)
    out = _tc_broadcast(row)
    return out[None, : x.shape[1]]

# --- scband reference (transcript-rebuilt; emitter-appended) ---
"""Pipeline reference for scband-level-encoding-en-19851338842566 (READ-ONLY COPY).

The authoritative reference and input builder live on the scoring server;
editing this copy changes nothing except your own understanding.
"""

import jax, jax.numpy as jnp
import numpy as np

MAX_LEN = 4096
HIDDEN_DIM = 1024
ENC_NUM_LAYERS = 12

def setup_inputs(seed: int = 0) -> dict:
    key = jax.random.key(seed)
    k1, k2 = jax.random.split(key)
    x = jax.random.normal(k1, (2, MAX_LEN, HIDDEN_DIM), dtype=jnp.float32)
    # nn.Embedding(enc_num_layers, hidden_dim) weight, default init ~ N(0,1)
    emb_table = jax.random.normal(k2, (ENC_NUM_LAYERS, HIDDEN_DIM), dtype=jnp.float32)
    lev = 6  # scalar int, 1-based level index; must be in [1, ENC_NUM_LAYERS]
    return {"x": x, "lev": lev, "emb_table": emb_table}

def reference(x, lev, emb_table):
    # self.lev = arange(enc_num_layers).reshape(L,1).repeat(1, max_len)
    lev_mat = jnp.tile(jnp.arange(ENC_NUM_LAYERS, dtype=jnp.int64).reshape(ENC_NUM_LAYERS, 1), (1, MAX_LEN))
    # emb_layer(self.lev[lev-1].unsqueeze(0))[:, :x.size(1)]
    idx = lev_mat[lev - 1][None, :]  # [1, max_len]
    out = jnp.take(emb_table, idx, axis=0)  # [1, max_len, hidden_dim]
    return out[:, :x.shape[1]]

if __name__ == "__main__":
    import jax
    _d = setup_inputs()
    print(jax.jit(kernel)(*tuple(_d.values())))

</pallas_src>

<mosaic_0001>
#map = affine_map<(d0) -> (0)>
#map1 = affine_map<(d0) -> (0, 0)>
module attributes {stable_mosaic.version = 14 : i64} {
  func.func @_sc_level_lookup(%arg0: i32, %arg1: memref<1xi32, #tpu.memory_space<hbm>>, %arg2: memref<12x1024xf32, #tpu.memory_space<hbm>>, %arg3: memref<1x1024xf32, #tpu.memory_space<hbm>>, %arg4: memref<1xi32, #tpu.memory_space<smem>>) attributes {dimension_semantics = [#tpu.dimension_semantics<core_parallel>], iteration_bounds = array<i64: 1>, scalar_prefetch = 0 : i64, scratch_operands = 1 : i64, tpu.core_type = #tpu.core_type<sc_scalar_subcore>, window_params = [{transform_indices = #map}, {transform_indices = #map1}, {transform_indices = #map1}]} {
    "tpu.region"() ({
      %run_scoped3A = tpu.sem_alloc : memref<!tpu.dma_semaphore, #tpu.memory_space<semaphore_mem>>
      tpu.enqueue_dma source(%arg1 : memref<1xi32, #tpu.memory_space<hbm>>) target(%arg4 : memref<1xi32, #tpu.memory_space<smem>>) target_semaphore(%run_scoped3A : memref<!tpu.dma_semaphore, #tpu.memory_space<semaphore_mem>>)
      tpu.wait_dma2 semaphore(%run_scoped3A : memref<!tpu.dma_semaphore, #tpu.memory_space<semaphore_mem>>) src(%arg1 : memref<1xi32, #tpu.memory_space<hbm>>) dst(%arg4 : memref<1xi32, #tpu.memory_space<smem>>)
      tpu.yield
    }) : () -> ()
    %get3A = arith.constant 0 : i32
    %get3A_0 = arith.index_cast %get3A : i32 to index
    %get3A_1 = memref.load %arg4[%get3A_0] : memref<1xi32, #tpu.memory_space<smem>>
    %sub3A = arith.constant 1 : i32
    %sub3A_2 = arith.subi %get3A_1, %sub3A : i32
    "tpu.region"() ({
      %run_scoped3A = tpu.sem_alloc : memref<!tpu.dma_semaphore, #tpu.memory_space<semaphore_mem>>
      %dma_start3A = arith.constant 0 : i32
      %dma_start3A_3 = tpu.memref_slice %arg2[%sub3A_2, %dma_start3A] : memref<12x1024xf32, #tpu.memory_space<hbm>> -> memref<1x1024xf32, #tpu.memory_space<hbm>>
      tpu.enqueue_dma source(%dma_start3A_3 : memref<1x1024xf32, #tpu.memory_space<hbm>>) target(%arg3 : memref<1x1024xf32, #tpu.memory_space<hbm>>) target_semaphore(%run_scoped3A : memref<!tpu.dma_semaphore, #tpu.memory_space<semaphore_mem>>)
      %dma_wait3A = arith.constant 0 : i32
      %dma_wait3A_4 = tpu.memref_slice %arg2[%sub3A_2, %dma_wait3A] : memref<12x1024xf32, #tpu.memory_space<hbm>> -> memref<1x1024xf32, #tpu.memory_space<hbm>>
      tpu.wait_dma2 semaphore(%run_scoped3A : memref<!tpu.dma_semaphore, #tpu.memory_space<semaphore_mem>>) src(%dma_wait3A_4 : memref<1x1024xf32, #tpu.memory_space<hbm>>) dst(%arg3 : memref<1x1024xf32, #tpu.memory_space<hbm>>)
      tpu.yield
    }) : () -> ()
    return
  }
}

module attributes {stable_mosaic.version = 14 : i64} {
  func.func @_tc_broadcast_body(%arg0: memref<1x1024xf32, #tpu.memory_space<vmem>>, %arg1: memref<4096x1024xf32, #tpu.memory_space<any>>, %arg2: memref<256x1024xf32, #tpu.memory_space<vmem>>, %arg3: memref<!tpu.dma_semaphore, #tpu.memory_space<semaphore_mem>>) attributes {dimension_semantics = [], scalar_prefetch = 0 : i64, scratch_operands = 2 : i64, tpu.core_type = #tpu.core_type<tc>} {
    %get3A = arith.constant 0 : index
    %get3A_0 = arith.constant 0 : index
    %get3A_1 = vector.load %arg0[%get3A, %get3A_0] : memref<1x1024xf32, #tpu.memory_space<vmem>>, vector<1x1024xf32>
    %broadcast_in_dim3A = vector.shape_cast %get3A_1 : vector<1x1024xf32> to vector<1x1024xf32>
    %broadcast_in_dim3A_2 = vector.broadcast %broadcast_in_dim3A : vector<1x1024xf32> to vector<256x1024xf32>
    %swap3A = arith.constant 0 : index
    %swap3A_3 = arith.constant 0 : index
    %swap3A_4 = vector.load %arg2[%swap3A, %swap3A_3] : memref<256x1024xf32, #tpu.memory_space<vmem>>, vector<256x1024xf32>
    tpu.vector_store %arg2[%swap3A, %swap3A_3], %broadcast_in_dim3A_2 {strides = array<i32>} : memref<256x1024xf32, #tpu.memory_space<vmem>>, vector<256x1024xf32>,
    %dma_start3A = arith.constant 0 : i32
    %dma_start3A_5 = arith.constant 0 : i32
    %dma_start3A_6 = tpu.memref_slice %arg1[%dma_start3A, %dma_start3A_5] : memref<4096x1024xf32, #tpu.memory_space<any>> -> memref<256x1024xf32, #tpu.memory_space<any>>
    tpu.enqueue_dma source(%arg2 : memref<256x1024xf32, #tpu.memory_space<vmem>>) target(%dma_start3A_6 : memref<256x1024xf32, #tpu.memory_space<any>>) target_semaphore(%arg3 : memref<!tpu.dma_semaphore, #tpu.memory_space<semaphore_mem>>)
    %dma_start3A_7 = arith.constant 256 : i32
    %dma_start3A_8 = arith.constant 0 : i32
    %dma_start3A_9 = tpu.memref_slice %arg1[%dma_start3A_7, %dma_start3A_8] : memref<4096x1024xf32, #tpu.memory_space<any>> -> memref<256x1024xf32, #tpu.memory_space<any>>
    tpu.enqueue_dma source(%arg2 : memref<256x1024xf32, #tpu.memory_space<vmem>>) target(%dma_start3A_9 : memref<256x1024xf32, #tpu.memory_space<any>>) target_semaphore(%arg3 : memref<!tpu.dma_semaphore, #tpu.memory_space<semaphore_mem>>)
    %dma_start3A_10 = arith.constant 512 : i32
    %dma_start3A_11 = arith.constant 0 : i32
    %dma_start3A_12 = tpu.memref_slice %arg1[%dma_start3A_10, %dma_start3A_11] : memref<4096x1024xf32, #tpu.memory_space<any>> -> memref<256x1024xf32, #tpu.memory_space<any>>
    tpu.enqueue_dma source(%arg2 : memref<256x1024xf32, #tpu.memory_space<vmem>>) target(%dma_start3A_12 : memref<256x1024xf32, #tpu.memory_space<any>>) target_semaphore(%arg3 : memref<!tpu.dma_semaphore, #tpu.memory_space<semaphore_mem>>)
    %dma_start3A_13 = arith.constant 768 : i32
    %dma_start3A_14 = arith.constant 0 : i32
    %dma_start3A_15 = tpu.memref_slice %arg1[%dma_start3A_13, %dma_start3A_14] : memref<4096x1024xf32, #tpu.memory_space<any>> -> memref<256x1024xf32, #tpu.memory_space<any>>
    tpu.enqueue_dma source(%arg2 : memref<256x1024xf32, #tpu.memory_space<vmem>>) target(%dma_start3A_15 : memref<256x1024xf32, #tpu.memory_space<any>>) target_semaphore(%arg3 : memref<!tpu.dma_semaphore, #tpu.memory_space<semaphore_mem>>)
    %dma_start3A_16 = arith.constant 1024 : i32
    %dma_start3A_17 = arith.constant 0 : i32
    %dma_start3A_18 = tpu.memref_slice %arg1[%dma_start3A_16, %dma_start3A_17] : memref<4096x1024xf32, #tpu.memory_space<any>> -> memref<256x1024xf32, #tpu.memory_space<any>>
    tpu.enqueue_dma source(%arg2 : memref<256x1024xf32, #tpu.memory_space<vmem>>) target(%dma_start3A_18 : memref<256x1024xf32, #tpu.memory_space<any>>) target_semaphore(%arg3 : memref<!tpu.dma_semaphore, #tpu.memory_space<semaphore_mem>>)
    %dma_start3A_19 = arith.constant 1280 : i32
    %dma_start3A_20 = arith.constant 0 : i32
    %dma_start3A_21 = tpu.memref_slice %arg1[%dma_start3A_19, %dma_start3A_20] : memref<4096x1024xf32, #tpu.memory_space<any>> -> memref<256x1024xf32, #tpu.memory_space<any>>
    tpu.enqueue_dma source(%arg2 : memref<256x1024xf32, #tpu.memory_space<vmem>>) target(%dma_start3A_21 : memref<256x1024xf32, #tpu.memory_space<any>>) target_semaphore(%arg3 : memref<!tpu.dma_semaphore, #tpu.memory_space<semaphore_mem>>)
    %dma_start3A_22 = arith.constant 1536 : i32
    %dma_start3A_23 = arith.constant 0 : i32
    %dma_start3A_24 = tpu.memref_slice %arg1[%dma_start3A_22, %dma_start3A_23] : memref<4096x1024xf32, #tpu.memory_space<any>> -> memref<256x1024xf32, #tpu.memory_space<any>>
    tpu.enqueue_dma source(%arg2 : memref<256x1024xf32, #tpu.memory_space<vmem>>) target(%dma_start3A_24 : memref<256x1024xf32, #tpu.memory_space<any>>) target_semaphore(%arg3 : memref<!tpu.dma_semaphore, #tpu.memory_space<semaphore_mem>>)
    %dma_start3A_25 = arith.constant 1792 : i32
    %dma_start3A_26 = arith.constant 0 : i32
    %dma_start3A_27 = tpu.memref_slice %arg1[%dma_start3A_25, %dma_start3A_26] : memref<4096x1024xf32, #tpu.memory_space<any>> -> memref<256x1024xf32, #tpu.memory_space<any>>
    tpu.enqueue_dma source(%arg2 : memref<256x1024xf32, #tpu.memory_space<vmem>>) target(%dma_start3A_27 : memref<256x1024xf32, #tpu.memory_space<any>>) target_semaphore(%arg3 : memref<!tpu.dma_semaphore, #tpu.memory_space<semaphore_mem>>)
    %dma_start3A_28 = arith.constant 2048 : i32
    %dma_start3A_29 = arith.constant 0 : i32
    %dma_start3A_30 = tpu.memref_slice %arg1[%dma_start3A_28, %dma_start3A_29] : memref<4096x1024xf32, #tpu.memory_space<any>> -> memref<256x1024xf32, #tpu.memory_space<any>>
    tpu.enqueue_dma source(%arg2 : memref<256x1024xf32, #tpu.memory_space<vmem>>) target(%dma_start3A_30 : memref<256x1024xf32, #tpu.memory_space<any>>) target_semaphore(%arg3 : memref<!tpu.dma_semaphore, #tpu.memory_space<semaphore_mem>>)
    %dma_start3A_31 = arith.constant 2304 : i32
    %dma_start3A_32 = arith.constant 0 : i32
    %dma_start3A_33 = tpu.memref_slice %arg1[%dma_start3A_31, %dma_start3A_32] : memref<4096x1024xf32, #tpu.memory_space<any>> -> memref<256x1024xf32, #tpu.memory_space<any>>
    tpu.enqueue_dma source(%arg2 : memref<256x1024xf32, #tpu.memory_space<vmem>>) target(%dma_start3A_33 : memref<256x1024xf32, #tpu.memory_space<any>>) target_semaphore(%arg3 : memref<!tpu.dma_semaphore, #tpu.memory_space<semaphore_mem>>)
    %dma_start3A_34 = arith.constant 2560 : i32
    %dma_start3A_35 = arith.constant 0 : i32
    %dma_start3A_36 = tpu.memref_slice %arg1[%dma_start3A_34, %dma_start3A_35] : memref<4096x1024xf32, #tpu.memory_space<any>> -> memref<256x1024xf32, #tpu.memory_space<any>>
    tpu.enqueue_dma source(%arg2 : memref<256x1024xf32, #tpu.memory_space<vmem>>) target(%dma_start3A_36 : memref<256x1024xf32, #tpu.memory_space<any>>) target_semaphore(%arg3 : memref<!tpu.dma_semaphore, #tpu.memory_space<semaphore_mem>>)
    %dma_start3A_37 = arith.constant 2816 : i32
    %dma_start3A_38 = arith.constant 0 : i32
    %dma_start3A_39 = tpu.memref_slice %arg1[%dma_start3A_37, %dma_start3A_38] : memref<4096x1024xf32, #tpu.memory_space<any>> -> memref<256x1024xf32, #tpu.memory_space<any>>
    tpu.enqueue_dma source(%arg2 : memref<256x1024xf32, #tpu.memory_space<vmem>>) target(%dma_start3A_39 : memref<256x1024xf32, #tpu.memory_space<any>>) target_semaphore(%arg3 : memref<!tpu.dma_semaphore, #tpu.memory_space<semaphore_mem>>)
    %dma_start3A_40 = arith.constant 3072 : i32
    %dma_start3A_41 = arith.constant 0 : i32
    %dma_start3A_42 = tpu.memref_slice %arg1[%dma_start3A_40, %dma_start3A_41] : memref<4096x1024xf32, #tpu.memory_space<any>> -> memref<256x1024xf32, #tpu.memory_space<any>>
    tpu.enqueue_dma source(%arg2 : memref<256x1024xf32, #tpu.memory_space<vmem>>) target(%dma_start3A_42 : memref<256x1024xf32, #tpu.memory_space<any>>) target_semaphore(%arg3 : memref<!tpu.dma_semaphore, #tpu.memory_space<semaphore_mem>>)
    %dma_start3A_43 = arith.constant 3328 : i32
    %dma_start3A_44 = arith.constant 0 : i32
    %dma_start3A_45 = tpu.memref_slice %arg1[%dma_start3A_43, %dma_start3A_44] : memref<4096x1024xf32, #tpu.memory_space<any>> -> memref<256x1024xf32, #tpu.memory_space<any>>
    tpu.enqueue_dma source(%arg2 : memref<256x1024xf32, #tpu.memory_space<vmem>>) target(%dma_start3A_45 : memref<256x1024xf32, #tpu.memory_space<any>>) target_semaphore(%arg3 : memref<!tpu.dma_semaphore, #tpu.memory_space<semaphore_mem>>)
    %dma_start3A_46 = arith.constant 3584 : i32
    %dma_start3A_47 = arith.constant 0 : i32
    %dma_start3A_48 = tpu.memref_slice %arg1[%dma_start3A_46, %dma_start3A_47] : memref<4096x1024xf32, #tpu.memory_space<any>> -> memref<256x1024xf32, #tpu.memory_space<any>>
    tpu.enqueue_dma source(%arg2 : memref<256x1024xf32, #tpu.memory_space<vmem>>) target(%dma_start3A_48 : memref<256x1024xf32, #tpu.memory_space<any>>) target_semaphore(%arg3 : memref<!tpu.dma_semaphore, #tpu.memory_space<semaphore_mem>>)
    %dma_start3A_49 = arith.constant 3840 : i32
    %dma_start3A_50 = arith.constant 0 : i32
    %dma_start3A_51 = tpu.memref_slice %arg1[%dma_start3A_49, %dma_start3A_50] : memref<4096x1024xf32, #tpu.memory_space<any>> -> memref<256x1024xf32, #tpu.memory_space<any>>
    tpu.enqueue_dma source(%arg2 : memref<256x1024xf32, #tpu.memory_space<vmem>>) target(%dma_start3A_51 : memref<256x1024xf32, #tpu.memory_space<any>>) target_semaphore(%arg3 : memref<!tpu.dma_semaphore, #tpu.memory_space<semaphore_mem>>)
    %dma_wait3A = arith.constant 0 : i32
    %dma_wait3A_52 = arith.constant 0 : i32
    %dma_wait3A_53 = tpu.memref_slice %arg1[%dma_wait3A, %dma_wait3A_52] : memref<4096x1024xf32, #tpu.memory_space<any>> -> memref<256x1024xf32, #tpu.memory_space<any>>
    tpu.wait_dma2 semaphore(%arg3 : memref<!tpu.dma_semaphore, #tpu.memory_space<semaphore_mem>>) src(%arg2 : memref<256x1024xf32, #tpu.memory_space<vmem>>) dst(%dma_wait3A_53 : memref<256x1024xf32, #tpu.memory_space<any>>)
    %dma_wait3A_54 = arith.constant 256 : i32
    %dma_wait3A_55 = arith.constant 0 : i32
    %dma_wait3A_56 = tpu.memref_slice %arg1[%dma_wait3A_54, %dma_wait3A_55] : memref<4096x1024xf32, #tpu.memory_space<any>> -> memref<256x1024xf32, #tpu.memory_space<any>>
    tpu.wait_dma2 semaphore(%arg3 : memref<!tpu.dma_semaphore, #tpu.memory_space<semaphore_mem>>) src(%arg2 : memref<256x1024xf32, #tpu.memory_space<vmem>>) dst(%dma_wait3A_56 : memref<256x1024xf32, #tpu.memory_space<any>>)
    %dma_wait3A_57 = arith.constant 512 : i32
    %dma_wait3A_58 = arith.constant 0 : i32
    %dma_wait3A_59 = tpu.memref_slice %arg1[%dma_wait3A_57, %dma_wait3A_58] : memref<4096x1024xf32, #tpu.memory_space<any>> -> memref<256x1024xf32, #tpu.memory_space<any>>
    tpu.wait_dma2 semaphore(%arg3 : memref<!tpu.dma_semaphore, #tpu.memory_space<semaphore_mem>>) src(%arg2 : memref<256x1024xf32, #tpu.memory_space<vmem>>) dst(%dma_wait3A_59 : memref<256x1024xf32, #tpu.memory_space<any>>)
    %dma_wait3A_60 = arith.constant 768 : i32
    %dma_wait3A_61 = arith.constant 0 : i32
    %dma_wait3A_62 = tpu.memref_slice %arg1[%dma_wait3A_60, %dma_wait3A_61] : memref<4096x1024xf32, #tpu.memory_space<any>> -> memref<256x1024xf32, #tpu.memory_space<any>>
    tpu.wait_dma2 semaphore(%arg3 : memref<!tpu.dma_semaphore, #tpu.memory_space<semaphore_mem>>) src(%arg2 : memref<256x1024xf32, #tpu.memory_space<vmem>>) dst(%dma_wait3A_62 : memref<256x1024xf32, #tpu.memory_space<any>>)
    %dma_wait3A_63 = arith.constant 1024 : i32
    %dma_wait3A_64 = arith.constant 0 : i32
    %dma_wait3A_65 = tpu.memref_slice %arg1[%dma_wait3A_63, %dma_wait3A_64] : memref<4096x1024xf32, #tpu.memory_space<any>> -> memref<256x1024xf32, #tpu.memory_space<any>>
    tpu.wait_dma2 semaphore(%arg3 : memref<!tpu.dma_semaphore, #tpu.memory_space<semaphore_mem>>) src(%arg2 : memref<256x1024xf32, #tpu.memory_space<vmem>>) dst(%dma_wait3A_65 : memref<256x1024xf32, #tpu.memory_space<any>>)
    %dma_wait3A_66 = arith.constant 1280 : i32
    %dma_wait3A_67 = arith.constant 0 : i32
    %dma_wait3A_68 = tpu.memref_slice %arg1[%dma_wait3A_66, %dma_wait3A_67] : memref<4096x1024xf32, #tpu.memory_space<any>> -> memref<256x1024xf32, #tpu.memory_space<any>>
    tpu.wait_dma2 semaphore(%arg3 : memref<!tpu.dma_semaphore, #tpu.memory_space<semaphore_mem>>) src(%arg2 : memref<256x1024xf32, #tpu.memory_space<vmem>>) dst(%dma_wait3A_68 : memref<256x1024xf32, #tpu.memory_space<any>>)
    %dma_wait3A_69 = arith.constant 1536 : i32
    %dma_wait3A_70 = arith.constant 0 : i32
    %dma_wait3A_71 = tpu.memref_slice %arg1[%dma_wait3A_69, %dma_wait3A_70] : memref<4096x1024xf32, #tpu.memory_space<any>> -> memref<256x1024xf32, #tpu.memory_space<any>>
    tpu.wait_dma2 semaphore(%arg3 : memref<!tpu.dma_semaphore, #tpu.memory_space<semaphore_mem>>) src(%arg2 : memref<256x1024xf32, #tpu.memory_space<vmem>>) dst(%dma_wait3A_71 : memref<256x1024xf32, #tpu.memory_space<any>>)
    %dma_wait3A_72 = arith.constant 1792 : i32
    %dma_wait3A_73 = arith.constant 0 : i32
    %dma_wait3A_74 = tpu.memref_slice %arg1[%dma_wait3A_72, %dma_wait3A_73] : memref<4096x1024xf32, #tpu.memory_space<any>> -> memref<256x1024xf32, #tpu.memory_space<any>>
    tpu.wait_dma2 semaphore(%arg3 : memref<!tpu.dma_semaphore, #tpu.memory_space<semaphore_mem>>) src(%arg2 : memref<256x1024xf32, #tpu.memory_space<vmem>>) dst(%dma_wait3A_74 : memref<256x1024xf32, #tpu.memory_space<any>>)
    %dma_wait3A_75 = arith.constant 2048 : i32
    %dma_wait3A_76 = arith.constant 0 : i32
    %dma_wait3A_77 = tpu.memref_slice %arg1[%dma_wait3A_75, %dma_wait3A_76] : memref<4096x1024xf32, #tpu.memory_space<any>> -> memref<256x1024xf32, #tpu.memory_space<any>>
    tpu.wait_dma2 semaphore(%arg3 : memref<!tpu.dma_semaphore, #tpu.memory_space<semaphore_mem>>) src(%arg2 : memref<256x1024xf32, #tpu.memory_space<vmem>>) dst(%dma_wait3A_77 : memref<256x1024xf32, #tpu.memory_space<any>>)
    %dma_wait3A_78 = arith.constant 2304 : i32
    %dma_wait3A_79 = arith.constant 0 : i32
    %dma_wait3A_80 = tpu.memref_slice %arg1[%dma_wait3A_78, %dma_wait3A_79] : memref<4096x1024xf32, #tpu.memory_space<any>> -> memref<256x1024xf32, #tpu.memory_space<any>>
    tpu.wait_dma2 semaphore(%arg3 : memref<!tpu.dma_semaphore, #tpu.memory_space<semaphore_mem>>) src(%arg2 : memref<256x1024xf32, #tpu.memory_space<vmem>>) dst(%dma_wait3A_80 : memref<256x1024xf32, #tpu.memory_space<any>>)
    %dma_wait3A_81 = arith.constant 2560 : i32
    %dma_wait3A_82 = arith.constant 0 : i32
    %dma_wait3A_83 = tpu.memref_slice %arg1[%dma_wait3A_81, %dma_wait3A_82] : memref<4096x1024xf32, #tpu.memory_space<any>> -> memref<256x1024xf32, #tpu.memory_space<any>>
    tpu.wait_dma2 semaphore(%arg3 : memref<!tpu.dma_semaphore, #tpu.memory_space<semaphore_mem>>) src(%arg2 : memref<256x1024xf32, #tpu.memory_space<vmem>>) dst(%dma_wait3A_83 : memref<256x1024xf32, #tpu.memory_space<any>>)
    %dma_wait3A_84 = arith.constant 2816 : i32
    %dma_wait3A_85 = arith.constant 0 : i32
    %dma_wait3A_86 = tpu.memref_slice %arg1[%dma_wait3A_84, %dma_wait3A_85] : memref<4096x1024xf32, #tpu.memory_space<any>> -> memref<256x1024xf32, #tpu.memory_space<any>>
    tpu.wait_dma2 semaphore(%arg3 : memref<!tpu.dma_semaphore, #tpu.memory_space<semaphore_mem>>) src(%arg2 : memref<256x1024xf32, #tpu.memory_space<vmem>>) dst(%dma_wait3A_86 : memref<256x1024xf32, #tpu.memory_space<any>>)
    %dma_wait3A_87 = arith.constant 3072 : i32
    %dma_wait3A_88 = arith.constant 0 : i32
    %dma_wait3A_89 = tpu.memref_slice %arg1[%dma_wait3A_87, %dma_wait3A_88] : memref<4096x1024xf32, #tpu.memory_space<any>> -> memref<256x1024xf32, #tpu.memory_space<any>>
    tpu.wait_dma2 semaphore(%arg3 : memref<!tpu.dma_semaphore, #tpu.memory_space<semaphore_mem>>) src(%arg2 : memref<256x1024xf32, #tpu.memory_space<vmem>>) dst(%dma_wait3A_89 : memref<256x1024xf32, #tpu.memory_space<any>>)
    %dma_wait3A_90 = arith.constant 3328 : i32
    %dma_wait3A_91 = arith.constant 0 : i32
    %dma_wait3A_92 = tpu.memref_slice %arg1[%dma_wait3A_90, %dma_wait3A_91] : memref<4096x1024xf32, #tpu.memory_space<any>> -> memref<256x1024xf32, #tpu.memory_space<any>>
    tpu.wait_dma2 semaphore(%arg3 : memref<!tpu.dma_semaphore, #tpu.memory_space<semaphore_mem>>) src(%arg2 : memref<256x1024xf32, #tpu.memory_space<vmem>>) dst(%dma_wait3A_92 : memref<256x1024xf32, #tpu.memory_space<any>>)
    %dma_wait3A_93 = arith.constant 3584 : i32
    %dma_wait3A_94 = arith.constant 0 : i32
    %dma_wait3A_95 = tpu.memref_slice %arg1[%dma_wait3A_93, %dma_wait3A_94] : memref<4096x1024xf32, #tpu.memory_space<any>> -> memref<256x1024xf32, #tpu.memory_space<any>>
    tpu.wait_dma2 semaphore(%arg3 : memref<!tpu.dma_semaphore, #tpu.memory_space<semaphore_mem>>) src(%arg2 : memref<256x1024xf32, #tpu.memory_space<vmem>>) dst(%dma_wait3A_95 : memref<256x1024xf32, #tpu.memory_space<any>>)
    %dma_wait3A_96 = arith.constant 3840 : i32
    %dma_wait3A_97 = arith.constant 0 : i32
    %dma_wait3A_98 = tpu.memref_slice %arg1[%dma_wait3A_96, %dma_wait3A_97] : memref<4096x1024xf32, #tpu.memory_space<any>> -> memref<256x1024xf32, #tpu.memory_space<any>>
    tpu.wait_dma2 semaphore(%arg3 : memref<!tpu.dma_semaphore, #tpu.memory_space<semaphore_mem>>) src(%arg2 : memref<256x1024xf32, #tpu.memory_space<vmem>>) dst(%dma_wait3A_98 : memref<256x1024xf32, #tpu.memory_space<any>>)
    return
  }
}

</mosaic_0001>

<sc_bundles>
// kernel: kernel.4.cloned.1.call-start
scs
__scs_entry_jumppad:
0x0: {  	(pc) =	sbr.rel $0x88, $3  }
0x1: {  	(tag) =	ssettag $0x0;
	lr =	simm.s32 $0x1  }
0x2: {  	[smem:$0x3F9F] =	sst lr;
	_ =	strace $0xD0000000  }
0x3: {  	_ = 	snop  }
0x4: {  	_ = 	snop  }
0x5: {  	_ = 	snop  }
0x6: {  	_ = 	snop  }
0x7: {  	_ = 	snop  }
__scs_overlays_trampoline_lowered:
0x8: {  	[smem:$0x3FAE] =	sst s0  }
0x9: {  	[smem:$0x3FAF] =	sst s1  }
0xa: {  	[smem:$0x3FB0] =	sst s2  }
0xb: {  	[smem:$0x3FB1] =	sst s3  }
0xc: {  	[smem:$0x3FB2] =	sst s4  }
0xd: {  	[smem:$0x3FB3] =	sst s5  }
0xe: {  	[smem:$0x3FB4] =	sst s6  }
0xf: {  	[smem:$0x3FB5] =	sst s7  }
0x10: {  	[smem:$0x3FB6] =	sst s8  }
0x11: {  	[smem:$0x3FB7] =	sst s9;
	s0 =	simm.s32 @!p0 $0x0  }
0x12: {  	s1 =	sld [smem:$0x3F9D];
	s0 =	simm.s32 @p0 $0x1  }
0x13: {  	[smem:$0x3FB8] =	sst s0;
	s0 =	simm.s32 @!p1 $0x0  }
0x14: {  	s2 =	sld [smem:$0x3F9C];
	s0 =	simm.s32 @p1 $0x1  }
0x15: {  	[smem:$0x3FB9] =	sst s0;
	s0 =	simm.s32 @!p2 $0x0  }
0x16: {  	s3 =	sld [smem:$0x3FDB];
	s0 =	simm.s32 @p2 $0x1  }
0x17: {  	s4 =	simm.s32 $0x1BF5;
	[smem:$0x3FBB] =	sst s0  }
0x18: {  	s0 =	sld [smem:$0x3F9E];
	_ =	swait.ge [sflag:s4], $0x0  }
0x19: {  	s7 =	sld [smem:$0x3F9F]  }
0x1a: {  	s8 =	sadd.s32 $0xFFFFE003, lr  }
0x1b: {  	s9 =	sadd.s32 $0xFFFFFEF7, lr;
	s5 =	simm.s32 $0xFFFFFFFF;
	p2 =	slt.u32 s8, $0xFFFFF086  }
0x1c: {  	p1 =	slt.u32 s9, $0xF7A;
	s5 =	simm.s32 @!p2 $0x0  }
0x1d: {  	s5 =	simm.s32 @p1 $0x1;
	p0 =	seq.s32 s7, s2  }
0x1e: {  	s7 =	smul.u32 @!p0 $0xF7A, s2;
	p2 =	seq.s32 @!p0 s5, $0x0  }
0x1f: {  	s9 =	smul.u32 $0xF7A, s1;
	s8 =	simm.s32 @!p0 $0x1BF5;
	p2 =	por !p2, p0  }
0x20: {  	[sflag:s8] =	ssyncset.s32 @!p0 $0xFFFFF086;
	s6 =	sadd.s32 @!p0 s3, s7;
	s7 =	simm.s32 @!p0 $0x108  }
0x21: {  	s3 =	sadd.s32 s3, s9;
	s6 =	sadd.s32 @!p0 $0x88, s6;
	s7 =	simm.s32 @p2 $0x1082  }
0x22: {  	[simem:s7], [sflag:s8] =	dma.local @!p0 [hbm:s6], $0xF7A  }
0x23: {  	s9 =	sor.u32 $0xD0000000, s2;
	s6 =	simm.s32 $0x108;
	_ =	swait.ge @!p0 [sflag:s8], $0x0  }
0x24: {  	s3 =	sadd.s32 $0x88, s3;
	s6 =	simm.s32 @!p1 $0x1082;
	[sflag:s4] =	ssyncset.s32 $0xFFFFF086  }
0x25: {  	[simem:s6], [sflag:s4] =	dma.local [hbm:s3], $0xF7A  }
0x26: {  	[smem:$0x3F9F] =	sst s1;
	(tag) =	ssettag s2;
	_ =	strace s9  }
0x27: {  	s1 =	sld [smem:$0x3FAF]  }
0x28: {  	s2 =	sld [smem:$0x3FB0]  }
0x29: {  	s4 =	sld [smem:$0x3FB2]  }
0x2a: {  	p0 =	seq.s32 s5, $0x0;
	s5 =	sld [smem:$0x3FB3]  }
0x2b: {  	s6 =	sld [smem:$0x3FB4]  }
0x2c: {  	s7 =	sld [smem:$0x3FB5]  }
0x2d: {  	s3 =	simm.s32 $0x108;
	s8 =	sld [smem:$0x3FB6]  }
0x2e: {  	s3 =	simm.s32 @!p0 $0x1082;
	s9 =	sld [smem:$0x3FB7]  }
0x2f: {  	lr =	sadd.s32 s0, s3;
	s0 =	sld [smem:$0x3FAE]  }
0x30: {  	s3 =	sld [smem:$0x3FB1]  }
0x31: {  	[smem:$0x3FBA] =	sst s10  }
0x32: {  	s10 =	sld [smem:$0x3FB8];
	_ =	sdelay $0x3  }
0x33: {  	p0 =	seq.s32 s10, $0x1;
	s10 =	sld [smem:$0x3FBA];
	_ =	sdelay $0x3  }
0x34: {  	[smem:$0x3FBA] =	sst s10  }
0x35: {  	s10 =	sld [smem:$0x3FB9];
	_ =	sdelay $0x3  }
0x36: {  	p1 =	seq.s32 s10, $0x1;
	s10 =	sld [smem:$0x3FBA];
	_ =	sdelay $0x3  }
0x37: {  	[smem:$0x3FBA] =	sst s10  }
0x38: {  	s10 =	sld [smem:$0x3FBB]  }
0x39: {  	_ = 	snop;
	(pc) =	sbr.ind lr, $3  }
0x3a: {  	_ = 	snop  }
0x3b: {  	_ = 	snop  }
0x3c: {  	p2 =	seq.s32 s10, $0x1;
	s10 =	sld [smem:$0x3FBA]  }
0x3d: {  	_ =	shalt  }
0x3e: {  	_ =	shalt  }
0x3f: {  	_ =	shalt  }
0x40: {  	_ =	shalt  }
0x41: {  	_ =	shalt  }
0x42: {  	_ =	shalt  }
0x43: {  	_ =	shalt  }
0x44: {  	_ =	shalt  }
0x45: {  	_ =	shalt  }
0x46: {  	_ =	shalt  }
0x47: {  	_ =	shalt  }
0x48: {  	_ =	shalt  }
0x49: {  	_ =	shalt  }
0x4a: {  	_ =	shalt  }
0x4b: {  	_ =	shalt  }
0x4c: {  	_ =	shalt  }
0x4d: {  	_ =	shalt  }
0x4e: {  	_ =	shalt  }
0x4f: {  	_ =	shalt  }
0x50: {  	_ =	shalt  }
0x51: {  	_ =	shalt  }
0x52: {  	_ =	shalt  }
0x53: {  	_ =	shalt  }
0x54: {  	_ =	shalt  }
0x55: {  	_ =	shalt  }
0x56: {  	_ =	shalt  }
0x57: {  	_ =	shalt  }
0x58: {  	_ =	shalt  }
0x59: {  	_ =	shalt  }
0x5a: {  	_ =	shalt  }
0x5b: {  	_ =	shalt  }
0x5c: {  	_ =	shalt  }
0x5d: {  	_ =	shalt  }
0x5e: {  	_ =	shalt  }
0x5f: {  	_ =	shalt  }
0x60: {  	_ =	shalt  }
0x61: {  	_ =	shalt  }
0x62: {  	_ =	shalt  }
0x63: {  	_ =	shalt  }
0x64: {  	_ =	shalt  }
0x65: {  	_ =	shalt  }
0x66: {  	_ =	shalt  }
0x67: {  	_ =	shalt  }
0x68: {  	_ =	shalt  }
0x69: {  	_ =	shalt  }
0x6a: {  	_ =	shalt  }
0x6b: {  	_ =	shalt  }
0x6c: {  	_ =	shalt  }
0x6d: {  	_ =	shalt  }
0x6e: {  	_ =	shalt  }
0x6f: {  	_ =	shalt  }
0x70: {  	_ =	shalt  }
0x71: {  	_ =	shalt  }
0x72: {  	_ =	shalt  }
0x73: {  	_ =	shalt  }
0x74: {  	_ =	shalt  }
0x75: {  	_ =	shalt  }
0x76: {  	_ =	shalt  }
0x77: {  	_ =	shalt  }
0x78: {  	_ =	shalt  }
0x79: {  	_ =	shalt  }
0x7a: {  	_ =	shalt  }
0x7b: {  	_ =	shalt  }
0x7c: {  	_ =	shalt  }
0x7d: {  	_ =	shalt  }
0x7e: {  	_ =	shalt  }
0x7f: {  	_ =	shalt  }
0x80: {  	_ =	shalt  }
0x81: {  	_ =	shalt  }
0x82: {  	_ =	shalt  }
0x83: {  	_ =	shalt  }
0x84: {  	_ =	shalt  }
0x85: {  	_ =	shalt  }
0x86: {  	_ =	shalt  }
0x87: {  	_ =	shalt  }
.Lfunc_end0:
.L_simem_size_0:
called_computation_lowered:
.L_overlay_start_0:
0x88: {  	s0 =	sld [smem:$0x3FD9]  }
0x89: {  	s1 =	sld [smem:$0x3FFE];
	_ =	sdelay $0x3  }
0x8a: {  	s0 =	sadd.s32 s1, s0  }
0x8b: {  	s3 =	simm.s32 $0x0;
	[smem:$0x3FC6] =	sst s0  }
0x8c: {  	[smem:$0xF] =	sst s3  }
0x8d: {  	s0 =	sld [smem:$0x3FC9]  }
0x8e: {  	s19 =	sld [smem:$0x3FC8]  }
0x8f: {  	s2 =	sld [smem:$0x3FD0];
	(tm) =	ssettm $0x1  }
0x90: {  	s20 =	sld [smem:$0x3FFB];
	_ =	sdelay $0x3  }
0x91: {  	_ =	strace s20  }
0x92: {  	s3 =	sld [smem:$0x3FFC];
	_ =	sdelay $0x3  }
0x93: {  	_ =	strace s3  }
0x94: {  	s3 =	sld [smem:$0x3FFD];
	_ =	sdelay $0x3  }
0x95: {  	_ =	strace s3  }
0x96: {  	s21 =	simm.s32 $0x1B8B;
	_ =	strace $0x8FFFFFFF  }
0x97: {  	_ =	swait.ge [sflag:s21], $0x1  }
0x98: {  	[sflag:s21] =	ssyncset.done $0x0  }
0x99: {  	s22 =	simm.s32 $0x1B8E;
	[sflag:s21] =	ssyncadd.s32 $0xFFFFFFFF  }
0x9a: {  	[smem:$0x3FD2] =	sst s22  }
0x9b: {  	s23 =	simm.s32 $0x9;
	s4 =	simm.s32 $0x10;
	_ =	strace $0x80000046  }
0x9c: {  	[smem:s4], [sflag:s23] =	dma.local [hbm:s0], $0x10  }
0x9d: {  	_ =	swait.ge [sflag:s23], $0x10  }
0x9e: {  	[sflag:s23] =	ssyncset.done $0x0  }
0x9f: {  	[sflag:s23] =	ssyncadd.s32 $0xFFFFFFF0  }
0xa0: {  	s24 =	sld [smem:$0x10];
	_ =	sdelay $0x3  }
0xa1: {  	s0 =	sadd.s32 $0xFFFFFFFF, s24  }
0xa2: {  	s5 =	sshll.u32 s0, $0xA;
	s0 =	sshll.u32 s0, $0x7  }
0xa3: {  	s5 =	sand.u32 $0xFFFFE000, s5;
	s0 =	sand.u32 $0x380, s0  }
0xa4: {  	s0 =	sor.u32 s0, s5  }
0xa5: {  	s0 =	sshrl.u32 s0, $0x3  }
0xa6: {  	s25 =	simm.s32 $0x1;
	s26 =	simm.s32 $0x80;
	s0 =	sadd.s32 s19, s0  }
0xa7: {  	[hbm:s2@s4], [sflag:s23] =	dma.strided [hbm:s0@s26], $0x80, s25, $0x10   }
0xa8: {  	_ =	swait.ge [sflag:s23], $0x80  }
0xa9: {  	[sflag:s23] =	ssyncset.done $0x0  }
0xaa: {  	[sflag:s23] =	ssyncadd.s32 $0xFFFFFF80  }
0xab: {  	_ =	strace $0x90000046  }
0xac: {  	_ =	sfence  }
0xad: {  	s28 =	sld [smem:$0x0];
	_ =	sdelay $0x1  }
0xae: {  	s29 =	srdreg.scid  }
0xaf: {  	s30 =	sshll.u32 s29, $0xD;
	s31 =	sshrl.u32 s29, $0x2  }
0xb0: {  	s1 =	sand.u32 $0x1, s29;
	s2 =	sand.u32 $0x4000, s30;
	s0 =	sadd.s32 s31, s28  }
0xb1: {  	s1 =	sor.u32 s2, s1;
	s0 =	sshll.u32 s0, $0x11  }
0xb2: {  	s0 =	sor.u32 s0, s1  }
0xb3: {  	s0 =	sadd.s32 $0x8F2B, s0;
	(pc) =	sbr.abs _section_cstart, $3  }
0xb4: {  	[sflag:s0] =	ssyncadd.remote.s32 $0x1  }
0xb5: {  	_ =	strace $0x9FFFFFFF  }
0xb6: {  	(tm) =	ssettm $0x7FFFFFFF  }
0xb7: {  	_ =	shalt  }

</sc_bundles>
